<compile_context>
chip_gen: v7x
topology: tpu7x:2x2x1
jax: 0.10.2.dev20260603
libtpu: 0.0.44.dev20260713+nightly
codegen_flags: <defaults>
</compile_context>

<pallas_src>
import jax
import jax.numpy as jnp
from jax import lax
from jax.experimental import pallas as pl
from jax.experimental.pallas import tpu as pltpu
from jax.experimental.pallas import tpu_sc as plsc

_N = 5_000_000
_B = 1_000_000

_NC = 2
_NS = 16
_NW = _NC * _NS
_CHUNK = 31_360
_H = _CHUNK // 2


def _body(src_hbm, dst_hbm, edge_hbm, ts_hbm, idx_hbm,
          out_s, out_d, out_e, out_t,
          idx_v, ba, bb, bc, bd, t0, t1,
          sa, sb, sc, sd, st0, st1):
    wid = lax.axis_index("s") * _NC + lax.axis_index("c")
    base = lax.min(wid * _CHUNK, _B - _CHUNK)

    def gather(table, half, buf, sem):
        return pltpu.async_copy(
            table.at[idx_v.at[pl.ds(half * _H, _H)]], buf, sem)

    def copyout(buf, out, half):
        pltpu.sync_copy(buf, out.at[pl.ds(base + half * _H, _H)])

    pltpu.sync_copy(idx_hbm.at[pl.ds(base, _H)], idx_v.at[pl.ds(0, _H)])
    h_s0 = gather(src_hbm, 0, ba, sa)
    h_d0 = gather(dst_hbm, 0, bb, sb)
    h_e0 = gather(edge_hbm, 0, bc, sc)
    h_t0 = gather(ts_hbm, 0, t0, st0)
    pltpu.sync_copy(idx_hbm.at[pl.ds(base + _H, _H)], idx_v.at[pl.ds(_H, _H)])
    h_s1 = gather(src_hbm, 1, bd, sd)
    h_t1 = gather(ts_hbm, 1, t1, st1)

    h_s0.wait()
    copyout(ba, out_s, 0)
    h_d1 = gather(dst_hbm, 1, ba, sa)
    h_d0.wait()
    copyout(bb, out_d, 0)
    h_e1 = gather(edge_hbm, 1, bb, sb)
    h_e0.wait()
    copyout(bc, out_e, 0)
    h_t0.wait()
    copyout(t0, out_t, 0)
    h_s1.wait()
    copyout(bd, out_s, 1)
    h_d1.wait()
    copyout(ba, out_d, 1)
    h_e1.wait()
    copyout(bb, out_e, 1)
    h_t1.wait()
    copyout(t1, out_t, 1)


def kernel(src, dst, edge_idxs, timestamps, idx):
    i32_out = jax.ShapeDtypeStruct((_B,), jnp.int32)
    f32_out = jax.ShapeDtypeStruct((_B,), jnp.float32)
    call = pl.kernel(
        _body,
        out_type=(i32_out, i32_out, i32_out, f32_out),
        mesh=plsc.VectorSubcoreMesh(core_axis_name="c", subcore_axis_name="s"),
        scratch_types=[
            pltpu.VMEM((_CHUNK,), jnp.int32),
            pltpu.VMEM((_H,), jnp.int32),
            pltpu.VMEM((_H,), jnp.int32),
            pltpu.VMEM((_H,), jnp.int32),
            pltpu.VMEM((_H,), jnp.int32),
            pltpu.VMEM((_H,), jnp.float32),
            pltpu.VMEM((_H,), jnp.float32),
            pltpu.SemaphoreType.DMA,
            pltpu.SemaphoreType.DMA,
            pltpu.SemaphoreType.DMA,
            pltpu.SemaphoreType.DMA,
            pltpu.SemaphoreType.DMA,
            pltpu.SemaphoreType.DMA,
        ],
    )
    return call(src, dst, edge_idxs, timestamps, idx)

# --- scband reference (transcript-rebuilt; emitter-appended) ---
"""Pipeline reference for scband-memory-37314675867745 (READ-ONLY COPY).

The authoritative reference and input builder live on the scoring server;
editing this copy changes nothing except your own understanding.
"""

import jax, jax.numpy as jnp
import numpy as np

N = 5000000
B = 1000000
NUM_NODES = 100000

def setup_inputs(seed: int = 0) -> dict:
    key = jax.random.key(seed)
    k1, k2, k3, k4, k5 = jax.random.split(key, 5)
    src = jax.random.randint(k1, (N,), 0, NUM_NODES, dtype=jnp.int32)
    dst = jax.random.randint(k2, (N,), 0, NUM_NODES, dtype=jnp.int32)
    edge_idxs = jax.random.randint(k3, (N,), 0, N, dtype=jnp.int32)
    timestamps = jax.random.uniform(k4, (N,), dtype=jnp.float32)
    idx = jax.random.randint(k5, (B,), 0, N, dtype=jnp.int32)
    return {"src": src, "dst": dst, "edge_idxs": edge_idxs, "timestamps": timestamps, "idx": idx}

def reference(src, dst, edge_idxs, timestamps, idx):
    # Faithful translation of Memory.get_data(size, mode='random'):
    # the sampled index set is passed in explicitly (idx) for determinism;
    # the op itself is four parallel row-gathers from the event memory buffers.
    s = jnp.take(src, idx, axis=0)
    d = jnp.take(dst, idx, axis=0)
    e = jnp.take(edge_idxs, idx, axis=0)
    t = jnp.take(timestamps, idx, axis=0)
    return (s, d, e, t)

if __name__ == "__main__":
    import jax
    _d = setup_inputs()
    print(jax.jit(kernel)(*tuple(_d.values())))

</pallas_src>

<mosaic_0001>
#map = affine_map<(d0, d1) -> (0)>
module attributes {stable_mosaic.version = 14 : i64} {
  func.func @_body(%arg0: i32, %arg1: i32, %arg2: memref<5000000xi32, #tpu.memory_space<hbm>>, %arg3: memref<5000000xi32, #tpu.memory_space<hbm>>, %arg4: memref<5000000xi32, #tpu.memory_space<hbm>>, %arg5: memref<5000000xf32, #tpu.memory_space<hbm>>, %arg6: memref<1000000xi32, #tpu.memory_space<hbm>>, %arg7: memref<1000000xi32, #tpu.memory_space<hbm>>, %arg8: memref<1000000xi32, #tpu.memory_space<hbm>>, %arg9: memref<1000000xi32, #tpu.memory_space<hbm>>, %arg10: memref<1000000xf32, #tpu.memory_space<hbm>>, %arg11: memref<31360xi32, #tpu.memory_space<vmem>>, %arg12: memref<15680xi32, #tpu.memory_space<vmem>>, %arg13: memref<15680xi32, #tpu.memory_space<vmem>>, %arg14: memref<15680xi32, #tpu.memory_space<vmem>>, %arg15: memref<15680xi32, #tpu.memory_space<vmem>>, %arg16: memref<15680xf32, #tpu.memory_space<vmem>>, %arg17: memref<15680xf32, #tpu.memory_space<vmem>>, %arg18: memref<!tpu.dma_semaphore, #tpu.memory_space<semaphore_mem>>, %arg19: memref<!tpu.dma_semaphore, #tpu.memory_space<semaphore_mem>>, %arg20: memref<!tpu.dma_semaphore, #tpu.memory_space<semaphore_mem>>, %arg21: memref<!tpu.dma_semaphore, #tpu.memory_space<semaphore_mem>>, %arg22: memref<!tpu.dma_semaphore, #tpu.memory_space<semaphore_mem>>, %arg23: memref<!tpu.dma_semaphore, #tpu.memory_space<semaphore_mem>>) attributes {dimension_semantics = [#tpu.dimension_semantics<core_parallel>, #tpu.dimension_semantics<subcore_parallel>], iteration_bounds = array<i64: 2, 16>, scalar_prefetch = 0 : i64, scratch_operands = 13 : i64, tpu.core_type = #tpu.core_type<sc_vector_subcore>, window_params = [{transform_indices = #map}, {transform_indices = #map}, {transform_indices = #map}, {transform_indices = #map}, {transform_indices = #map}, {transform_indices = #map}, {transform_indices = #map}, {transform_indices = #map}, {transform_indices = #map}]} {
    %mul3A = arith.constant 2 : i32
    %mul3A_0 = arith.muli %arg1, %mul3A : i32
    %add3A = arith.addi %mul3A_0, %arg0 : i32
    %mul3A_1 = arith.constant 31360 : i32
    %mul3A_2 = arith.muli %add3A, %mul3A_1 : i32
    %min3A = arith.constant 968640 : i32
    %min3A_3 = arith.minsi %mul3A_2, %min3A : i32
    "tpu.region"() ({
      %run_scoped3A = tpu.sem_alloc : memref<!tpu.dma_semaphore, #tpu.memory_space<semaphore_mem>>
      %dma_start3A_84 = arith.constant 0 : i32
      %dma_start3A_85 = tpu.memref_slice %arg11[%dma_start3A_84] : memref<31360xi32, #tpu.memory_space<vmem>> -> memref<15680xi32, #tpu.memory_space<vmem>>
      %dma_start3A_86 = tpu.memref_slice %arg6[%min3A_3] : memref<1000000xi32, #tpu.memory_space<hbm>> -> memref<15680xi32, #tpu.memory_space<hbm>>
      %dma_start3A_87 = arith.constant 0 : i32
      %dma_start3A_88 = tpu.memref_slice %arg11[%dma_start3A_87] : memref<31360xi32, #tpu.memory_space<vmem>> -> memref<15680xi32, #tpu.memory_space<vmem>>
      %dma_start3A_89 = tpu.memref_slice %arg6[%min3A_3] : memref<1000000xi32, #tpu.memory_space<hbm>> -> memref<15680xi32, #tpu.memory_space<hbm>>
      tpu.enqueue_dma source(%dma_start3A_89 : memref<15680xi32, #tpu.memory_space<hbm>>) target(%dma_start3A_88 : memref<15680xi32, #tpu.memory_space<vmem>>) target_semaphore(%run_scoped3A : memref<!tpu.dma_semaphore, #tpu.memory_space<semaphore_mem>>)
      %dma_wait3A_90 = arith.constant 0 : i32
      %dma_wait3A_91 = tpu.memref_slice %arg11[%dma_wait3A_90] : memref<31360xi32, #tpu.memory_space<vmem>> -> memref<15680xi32, #tpu.memory_space<vmem>>
      %dma_wait3A_92 = tpu.memref_slice %arg6[%min3A_3] : memref<1000000xi32, #tpu.memory_space<hbm>> -> memref<15680xi32, #tpu.memory_space<hbm>>
      %dma_wait3A_93 = arith.constant 0 : i32
      %dma_wait3A_94 = tpu.memref_slice %arg11[%dma_wait3A_93] : memref<31360xi32, #tpu.memory_space<vmem>> -> memref<15680xi32, #tpu.memory_space<vmem>>
      %dma_wait3A_95 = tpu.memref_slice %arg6[%min3A_3] : memref<1000000xi32, #tpu.memory_space<hbm>> -> memref<15680xi32, #tpu.memory_space<hbm>>
      tpu.wait_dma2 semaphore(%run_scoped3A : memref<!tpu.dma_semaphore, #tpu.memory_space<semaphore_mem>>) src(%dma_wait3A_95 : memref<15680xi32, #tpu.memory_space<hbm>>) dst(%dma_wait3A_94 : memref<15680xi32, #tpu.memory_space<vmem>>)
      tpu.yield
    }) : () -> ()
    %dma_start3A = arith.constant 0 : i32
    %dma_start3A_4 = tpu.memref_slice %arg11[%dma_start3A] : memref<31360xi32, #tpu.memory_space<vmem>> -> memref<15680xi32, #tpu.memory_space<vmem>>
    %dma_start3A_5 = arith.constant 0 : i32
    %dma_start3A_6 = tpu.memref_slice %arg2[%dma_start3A_5] : memref<5000000xi32, #tpu.memory_space<hbm>> -> memref<5000000xi32, #tpu.memory_space<hbm>>
    tpu.enqueue_indirect_dma source(%dma_start3A_6 : memref<5000000xi32, #tpu.memory_space<hbm>>) target(%arg12 : memref<15680xi32, #tpu.memory_space<vmem>>) offsets(%dma_start3A_4 : memref<15680xi32, #tpu.memory_space<vmem>>) semaphore(%arg18 : memref<!tpu.dma_semaphore, #tpu.memory_space<semaphore_mem>>)
    %dma_start3A_7 = arith.constant 0 : i32
    %dma_start3A_8 = tpu.memref_slice %arg11[%dma_start3A_7] : memref<31360xi32, #tpu.memory_space<vmem>> -> memref<15680xi32, #tpu.memory_space<vmem>>
    %dma_start3A_9 = arith.constant 0 : i32
    %dma_start3A_10 = tpu.memref_slice %arg3[%dma_start3A_9] : memref<5000000xi32, #tpu.memory_space<hbm>> -> memref<5000000xi32, #tpu.memory_space<hbm>>
    tpu.enqueue_indirect_dma source(%dma_start3A_10 : memref<5000000xi32, #tpu.memory_space<hbm>>) target(%arg13 : memref<15680xi32, #tpu.memory_space<vmem>>) offsets(%dma_start3A_8 : memref<15680xi32, #tpu.memory_space<vmem>>) semaphore(%arg19 : memref<!tpu.dma_semaphore, #tpu.memory_space<semaphore_mem>>)
    %dma_start3A_11 = arith.constant 0 : i32
    %dma_start3A_12 = tpu.memref_slice %arg11[%dma_start3A_11] : memref<31360xi32, #tpu.memory_space<vmem>> -> memref<15680xi32, #tpu.memory_space<vmem>>
    %dma_start3A_13 = arith.constant 0 : i32
    %dma_start3A_14 = tpu.memref_slice %arg4[%dma_start3A_13] : memref<5000000xi32, #tpu.memory_space<hbm>> -> memref<5000000xi32, #tpu.memory_space<hbm>>
    tpu.enqueue_indirect_dma source(%dma_start3A_14 : memref<5000000xi32, #tpu.memory_space<hbm>>) target(%arg14 : memref<15680xi32, #tpu.memory_space<vmem>>) offsets(%dma_start3A_12 : memref<15680xi32, #tpu.memory_space<vmem>>) semaphore(%arg20 : memref<!tpu.dma_semaphore, #tpu.memory_space<semaphore_mem>>)
    %dma_start3A_15 = arith.constant 0 : i32
    %dma_start3A_16 = tpu.memref_slice %arg11[%dma_start3A_15] : memref<31360xi32, #tpu.memory_space<vmem>> -> memref<15680xi32, #tpu.memory_space<vmem>>
    %dma_start3A_17 = arith.constant 0 : i32
    %dma_start3A_18 = tpu.memref_slice %arg5[%dma_start3A_17] : memref<5000000xf32, #tpu.memory_space<hbm>> -> memref<5000000xf32, #tpu.memory_space<hbm>>
    tpu.enqueue_indirect_dma source(%dma_start3A_18 : memref<5000000xf32, #tpu.memory_space<hbm>>) target(%arg16 : memref<15680xf32, #tpu.memory_space<vmem>>) offsets(%dma_start3A_16 : memref<15680xi32, #tpu.memory_space<vmem>>) semaphore(%arg22 : memref<!tpu.dma_semaphore, #tpu.memory_space<semaphore_mem>>)
    %add3A_19 = arith.constant 15680 : i32
    %add3A_20 = arith.addi %min3A_3, %add3A_19 : i32
    "tpu.region"() ({
      %run_scoped3A = tpu.sem_alloc : memref<!tpu.dma_semaphore, #tpu.memory_space<semaphore_mem>>
      %dma_start3A_84 = arith.constant 15680 : i32
      %dma_start3A_85 = tpu.memref_slice %arg11[%dma_start3A_84] : memref<31360xi32, #tpu.memory_space<vmem>> -> memref<15680xi32, #tpu.memory_space<vmem>>
      %dma_start3A_86 = tpu.memref_slice %arg6[%add3A_20] : memref<1000000xi32, #tpu.memory_space<hbm>> -> memref<15680xi32, #tpu.memory_space<hbm>>
      %dma_start3A_87 = arith.constant 15680 : i32
      %dma_start3A_88 = tpu.memref_slice %arg11[%dma_start3A_87] : memref<31360xi32, #tpu.memory_space<vmem>> -> memref<15680xi32, #tpu.memory_space<vmem>>
      %dma_start3A_89 = tpu.memref_slice %arg6[%add3A_20] : memref<1000000xi32, #tpu.memory_space<hbm>> -> memref<15680xi32, #tpu.memory_space<hbm>>
      tpu.enqueue_dma source(%dma_start3A_89 : memref<15680xi32, #tpu.memory_space<hbm>>) target(%dma_start3A_88 : memref<15680xi32, #tpu.memory_space<vmem>>) target_semaphore(%run_scoped3A : memref<!tpu.dma_semaphore, #tpu.memory_space<semaphore_mem>>)
      %dma_wait3A_90 = arith.constant 15680 : i32
      %dma_wait3A_91 = tpu.memref_slice %arg11[%dma_wait3A_90] : memref<31360xi32, #tpu.memory_space<vmem>> -> memref<15680xi32, #tpu.memory_space<vmem>>
      %dma_wait3A_92 = tpu.memref_slice %arg6[%add3A_20] : memref<1000000xi32, #tpu.memory_space<hbm>> -> memref<15680xi32, #tpu.memory_space<hbm>>
      %dma_wait3A_93 = arith.constant 15680 : i32
      %dma_wait3A_94 = tpu.memref_slice %arg11[%dma_wait3A_93] : memref<31360xi32, #tpu.memory_space<vmem>> -> memref<15680xi32, #tpu.memory_space<vmem>>
      %dma_wait3A_95 = tpu.memref_slice %arg6[%add3A_20] : memref<1000000xi32, #tpu.memory_space<hbm>> -> memref<15680xi32, #tpu.memory_space<hbm>>
      tpu.wait_dma2 semaphore(%run_scoped3A : memref<!tpu.dma_semaphore, #tpu.memory_space<semaphore_mem>>) src(%dma_wait3A_95 : memref<15680xi32, #tpu.memory_space<hbm>>) dst(%dma_wait3A_94 : memref<15680xi32, #tpu.memory_space<vmem>>)
      tpu.yield
    }) : () -> ()
    %dma_start3A_21 = arith.constant 15680 : i32
    %dma_start3A_22 = tpu.memref_slice %arg11[%dma_start3A_21] : memref<31360xi32, #tpu.memory_space<vmem>> -> memref<15680xi32, #tpu.memory_space<vmem>>
    %dma_start3A_23 = arith.constant 0 : i32
    %dma_start3A_24 = tpu.memref_slice %arg2[%dma_start3A_23] : memref<5000000xi32, #tpu.memory_space<hbm>> -> memref<5000000xi32, #tpu.memory_space<hbm>>
    tpu.enqueue_indirect_dma source(%dma_start3A_24 : memref<5000000xi32, #tpu.memory_space<hbm>>) target(%arg15 : memref<15680xi32, #tpu.memory_space<vmem>>) offsets(%dma_start3A_22 : memref<15680xi32, #tpu.memory_space<vmem>>) semaphore(%arg21 : memref<!tpu.dma_semaphore, #tpu.memory_space<semaphore_mem>>)
    %dma_start3A_25 = arith.constant 15680 : i32
    %dma_start3A_26 = tpu.memref_slice %arg11[%dma_start3A_25] : memref<31360xi32, #tpu.memory_space<vmem>> -> memref<15680xi32, #tpu.memory_space<vmem>>
    %dma_start3A_27 = arith.constant 0 : i32
    %dma_start3A_28 = tpu.memref_slice %arg5[%dma_start3A_27] : memref<5000000xf32, #tpu.memory_space<hbm>> -> memref<5000000xf32, #tpu.memory_space<hbm>>
    tpu.enqueue_indirect_dma source(%dma_start3A_28 : memref<5000000xf32, #tpu.memory_space<hbm>>) target(%arg17 : memref<15680xf32, #tpu.memory_space<vmem>>) offsets(%dma_start3A_26 : memref<15680xi32, #tpu.memory_space<vmem>>) semaphore(%arg23 : memref<!tpu.dma_semaphore, #tpu.memory_space<semaphore_mem>>)
    %dma_wait3A = arith.constant 0 : i32
    %dma_wait3A_29 = tpu.memref_slice %arg11[%dma_wait3A] : memref<31360xi32, #tpu.memory_space<vmem>> -> memref<15680xi32, #tpu.memory_space<vmem>>
    %dma_wait3A_30 = arith.constant 0 : i32
    %dma_wait3A_31 = tpu.memref_slice %arg2[%dma_wait3A_30] : memref<5000000xi32, #tpu.memory_space<hbm>> -> memref<5000000xi32, #tpu.memory_space<hbm>>
    tpu.wait_indirect_dma semaphore(%arg18 : memref<!tpu.dma_semaphore, #tpu.memory_space<semaphore_mem>>) src(%dma_wait3A_31 : memref<5000000xi32, #tpu.memory_space<hbm>>) dst(%arg12 : memref<15680xi32, #tpu.memory_space<vmem>>)
    %add3A_32 = arith.constant 0 : i32
    %add3A_33 = arith.addi %min3A_3, %add3A_32 : i32
    "tpu.region"() ({
      %run_scoped3A = tpu.sem_alloc : memref<!tpu.dma_semaphore, #tpu.memory_space<semaphore_mem>>
      %dma_start3A_84 = tpu.memref_slice %arg7[%add3A_33] : memref<1000000xi32, #tpu.memory_space<hbm>> -> memref<15680xi32, #tpu.memory_space<hbm>>
      %dma_start3A_85 = tpu.memref_slice %arg7[%add3A_33] : memref<1000000xi32, #tpu.memory_space<hbm>> -> memref<15680xi32, #tpu.memory_space<hbm>>
      tpu.enqueue_dma source(%arg12 : memref<15680xi32, #tpu.memory_space<vmem>>) target(%dma_start3A_85 : memref<15680xi32, #tpu.memory_space<hbm>>) target_semaphore(%run_scoped3A : memref<!tpu.dma_semaphore, #tpu.memory_space<semaphore_mem>>)
      %dma_wait3A_86 = tpu.memref_slice %arg7[%add3A_33] : memref<1000000xi32, #tpu.memory_space<hbm>> -> memref<15680xi32, #tpu.memory_space<hbm>>
      %dma_wait3A_87 = tpu.memref_slice %arg7[%add3A_33] : memref<1000000xi32, #tpu.memory_space<hbm>> -> memref<15680xi32, #tpu.memory_space<hbm>>
      tpu.wait_dma2 semaphore(%run_scoped3A : memref<!tpu.dma_semaphore, #tpu.memory_space<semaphore_mem>>) src(%arg12 : memref<15680xi32, #tpu.memory_space<vmem>>) dst(%dma_wait3A_87 : memref<15680xi32, #tpu.memory_space<hbm>>)
      tpu.yield
    }) : () -> ()
    %dma_start3A_34 = arith.constant 15680 : i32
    %dma_start3A_35 = tpu.memref_slice %arg11[%dma_start3A_34] : memref<31360xi32, #tpu.memory_space<vmem>> -> memref<15680xi32, #tpu.memory_space<vmem>>
    %dma_start3A_36 = arith.constant 0 : i32
    %dma_start3A_37 = tpu.memref_slice %arg3[%dma_start3A_36] : memref<5000000xi32, #tpu.memory_space<hbm>> -> memref<5000000xi32, #tpu.memory_space<hbm>>
    tpu.enqueue_indirect_dma source(%dma_start3A_37 : memref<5000000xi32, #tpu.memory_space<hbm>>) target(%arg12 : memref<15680xi32, #tpu.memory_space<vmem>>) offsets(%dma_start3A_35 : memref<15680xi32, #tpu.memory_space<vmem>>) semaphore(%arg18 : memref<!tpu.dma_semaphore, #tpu.memory_space<semaphore_mem>>)
    %dma_wait3A_38 = arith.constant 0 : i32
    %dma_wait3A_39 = tpu.memref_slice %arg11[%dma_wait3A_38] : memref<31360xi32, #tpu.memory_space<vmem>> -> memref<15680xi32, #tpu.memory_space<vmem>>
    %dma_wait3A_40 = arith.constant 0 : i32
    %dma_wait3A_41 = tpu.memref_slice %arg3[%dma_wait3A_40] : memref<5000000xi32, #tpu.memory_space<hbm>> -> memref<5000000xi32, #tpu.memory_space<hbm>>
    tpu.wait_indirect_dma semaphore(%arg19 : memref<!tpu.dma_semaphore, #tpu.memory_space<semaphore_mem>>) src(%dma_wait3A_41 : memref<5000000xi32, #tpu.memory_space<hbm>>) dst(%arg13 : memref<15680xi32, #tpu.memory_space<vmem>>)
    %add3A_42 = arith.constant 0 : i32
    %add3A_43 = arith.addi %min3A_3, %add3A_42 : i32
    "tpu.region"() ({
      %run_scoped3A = tpu.sem_alloc : memref<!tpu.dma_semaphore, #tpu.memory_space<semaphore_mem>>
      %dma_start3A_84 = tpu.memref_slice %arg8[%add3A_43] : memref<1000000xi32, #tpu.memory_space<hbm>> -> memref<15680xi32, #tpu.memory_space<hbm>>
      %dma_start3A_85 = tpu.memref_slice %arg8[%add3A_43] : memref<1000000xi32, #tpu.memory_space<hbm>> -> memref<15680xi32, #tpu.memory_space<hbm>>
      tpu.enqueue_dma source(%arg13 : memref<15680xi32, #tpu.memory_space<vmem>>) target(%dma_start3A_85 : memref<15680xi32, #tpu.memory_space<hbm>>) target_semaphore(%run_scoped3A : memref<!tpu.dma_semaphore, #tpu.memory_space<semaphore_mem>>)
      %dma_wait3A_86 = tpu.memref_slice %arg8[%add3A_43] : memref<1000000xi32, #tpu.memory_space<hbm>> -> memref<15680xi32, #tpu.memory_space<hbm>>
      %dma_wait3A_87 = tpu.memref_slice %arg8[%add3A_43] : memref<1000000xi32, #tpu.memory_space<hbm>> -> memref<15680xi32, #tpu.memory_space<hbm>>
      tpu.wait_dma2 semaphore(%run_scoped3A : memref<!tpu.dma_semaphore, #tpu.memory_space<semaphore_mem>>) src(%arg13 : memref<15680xi32, #tpu.memory_space<vmem>>) dst(%dma_wait3A_87 : memref<15680xi32, #tpu.memory_space<hbm>>)
      tpu.yield
    }) : () -> ()
    %dma_start3A_44 = arith.constant 15680 : i32
    %dma_start3A_45 = tpu.memref_slice %arg11[%dma_start3A_44] : memref<31360xi32, #tpu.memory_space<vmem>> -> memref<15680xi32, #tpu.memory_space<vmem>>
    %dma_start3A_46 = arith.constant 0 : i32
    %dma_start3A_47 = tpu.memref_slice %arg4[%dma_start3A_46] : memref<5000000xi32, #tpu.memory_space<hbm>> -> memref<5000000xi32, #tpu.memory_space<hbm>>
    tpu.enqueue_indirect_dma source(%dma_start3A_47 : memref<5000000xi32, #tpu.memory_space<hbm>>) target(%arg13 : memref<15680xi32, #tpu.memory_space<vmem>>) offsets(%dma_start3A_45 : memref<15680xi32, #tpu.memory_space<vmem>>) semaphore(%arg19 : memref<!tpu.dma_semaphore, #tpu.memory_space<semaphore_mem>>)
    %dma_wait3A_48 = arith.constant 0 : i32
    %dma_wait3A_49 = tpu.memref_slice %arg11[%dma_wait3A_48] : memref<31360xi32, #tpu.memory_space<vmem>> -> memref<15680xi32, #tpu.memory_space<vmem>>
    %dma_wait3A_50 = arith.constant 0 : i32
    %dma_wait3A_51 = tpu.memref_slice %arg4[%dma_wait3A_50] : memref<5000000xi32, #tpu.memory_space<hbm>> -> memref<5000000xi32, #tpu.memory_space<hbm>>
    tpu.wait_indirect_dma semaphore(%arg20 : memref<!tpu.dma_semaphore, #tpu.memory_space<semaphore_mem>>) src(%dma_wait3A_51 : memref<5000000xi32, #tpu.memory_space<hbm>>) dst(%arg14 : memref<15680xi32, #tpu.memory_space<vmem>>)
    %add3A_52 = arith.constant 0 : i32
    %add3A_53 = arith.addi %min3A_3, %add3A_52 : i32
    "tpu.region"() ({
      %run_scoped3A = tpu.sem_alloc : memref<!tpu.dma_semaphore, #tpu.memory_space<semaphore_mem>>
      %dma_start3A_84 = tpu.memref_slice %arg9[%add3A_53] : memref<1000000xi32, #tpu.memory_space<hbm>> -> memref<15680xi32, #tpu.memory_space<hbm>>
      %dma_start3A_85 = tpu.memref_slice %arg9[%add3A_53] : memref<1000000xi32, #tpu.memory_space<hbm>> -> memref<15680xi32, #tpu.memory_space<hbm>>
      tpu.enqueue_dma source(%arg14 : memref<15680xi32, #tpu.memory_space<vmem>>) target(%dma_start3A_85 : memref<15680xi32, #tpu.memory_space<hbm>>) target_semaphore(%run_scoped3A : memref<!tpu.dma_semaphore, #tpu.memory_space<semaphore_mem>>)
      %dma_wait3A_86 = tpu.memref_slice %arg9[%add3A_53] : memref<1000000xi32, #tpu.memory_space<hbm>> -> memref<15680xi32, #tpu.memory_space<hbm>>
      %dma_wait3A_87 = tpu.memref_slice %arg9[%add3A_53] : memref<1000000xi32, #tpu.memory_space<hbm>> -> memref<15680xi32, #tpu.memory_space<hbm>>
      tpu.wait_dma2 semaphore(%run_scoped3A : memref<!tpu.dma_semaphore, #tpu.memory_space<semaphore_mem>>) src(%arg14 : memref<15680xi32, #tpu.memory_space<vmem>>) dst(%dma_wait3A_87 : memref<15680xi32, #tpu.memory_space<hbm>>)
      tpu.yield
    }) : () -> ()
    %dma_wait3A_54 = arith.constant 0 : i32
    %dma_wait3A_55 = tpu.memref_slice %arg11[%dma_wait3A_54] : memref<31360xi32, #tpu.memory_space<vmem>> -> memref<15680xi32, #tpu.memory_space<vmem>>
    %dma_wait3A_56 = arith.constant 0 : i32
    %dma_wait3A_57 = tpu.memref_slice %arg5[%dma_wait3A_56] : memref<5000000xf32, #tpu.memory_space<hbm>> -> memref<5000000xf32, #tpu.memory_space<hbm>>
    tpu.wait_indirect_dma semaphore(%arg22 : memref<!tpu.dma_semaphore, #tpu.memory_space<semaphore_mem>>) src(%dma_wait3A_57 : memref<5000000xf32, #tpu.memory_space<hbm>>) dst(%arg16 : memref<15680xf32, #tpu.memory_space<vmem>>)
    %add3A_58 = arith.constant 0 : i32
    %add3A_59 = arith.addi %min3A_3, %add3A_58 : i32
    "tpu.region"() ({
      %run_scoped3A = tpu.sem_alloc : memref<!tpu.dma_semaphore, #tpu.memory_space<semaphore_mem>>
      %dma_start3A_84 = tpu.memref_slice %arg10[%add3A_59] : memref<1000000xf32, #tpu.memory_space<hbm>> -> memref<15680xf32, #tpu.memory_space<hbm>>
      %dma_start3A_85 = tpu.memref_slice %arg10[%add3A_59] : memref<1000000xf32, #tpu.memory_space<hbm>> -> memref<15680xf32, #tpu.memory_space<hbm>>
      tpu.enqueue_dma source(%arg16 : memref<15680xf32, #tpu.memory_space<vmem>>) target(%dma_start3A_85 : memref<15680xf32, #tpu.memory_space<hbm>>) target_semaphore(%run_scoped3A : memref<!tpu.dma_semaphore, #tpu.memory_space<semaphore_mem>>)
      %dma_wait3A_86 = tpu.memref_slice %arg10[%add3A_59] : memref<1000000xf32, #tpu.memory_space<hbm>> -> memref<15680xf32, #tpu.memory_space<hbm>>
      %dma_wait3A_87 = tpu.memref_slice %arg10[%add3A_59] : memref<1000000xf32, #tpu.memory_space<hbm>> -> memref<15680xf32, #tpu.memory_space<hbm>>
      tpu.wait_dma2 semaphore(%run_scoped3A : memref<!tpu.dma_semaphore, #tpu.memory_space<semaphore_mem>>) src(%arg16 : memref<15680xf32, #tpu.memory_space<vmem>>) dst(%dma_wait3A_87 : memref<15680xf32, #tpu.memory_space<hbm>>)
      tpu.yield
    }) : () -> ()
    %dma_wait3A_60 = arith.constant 15680 : i32
    %dma_wait3A_61 = tpu.memref_slice %arg11[%dma_wait3A_60] : memref<31360xi32, #tpu.memory_space<vmem>> -> memref<15680xi32, #tpu.memory_space<vmem>>
    %dma_wait3A_62 = arith.constant 0 : i32
    %dma_wait3A_63 = tpu.memref_slice %arg2[%dma_wait3A_62] : memref<5000000xi32, #tpu.memory_space<hbm>> -> memref<5000000xi32, #tpu.memory_space<hbm>>
    tpu.wait_indirect_dma semaphore(%arg21 : memref<!tpu.dma_semaphore, #tpu.memory_space<semaphore_mem>>) src(%dma_wait3A_63 : memref<5000000xi32, #tpu.memory_space<hbm>>) dst(%arg15 : memref<15680xi32, #tpu.memory_space<vmem>>)
    %add3A_64 = arith.constant 15680 : i32
    %add3A_65 = arith.addi %min3A_3, %add3A_64 : i32
    "tpu.region"() ({
      %run_scoped3A = tpu.sem_alloc : memref<!tpu.dma_semaphore, #tpu.memory_space<semaphore_mem>>
      %dma_start3A_84 = tpu.memref_slice %arg7[%add3A_65] : memref<1000000xi32, #tpu.memory_space<hbm>> -> memref<15680xi32, #tpu.memory_space<hbm>>
      %dma_start3A_85 = tpu.memref_slice %arg7[%add3A_65] : memref<1000000xi32, #tpu.memory_space<hbm>> -> memref<15680xi32, #tpu.memory_space<hbm>>
      tpu.enqueue_dma source(%arg15 : memref<15680xi32, #tpu.memory_space<vmem>>) target(%dma_start3A_85 : memref<15680xi32, #tpu.memory_space<hbm>>) target_semaphore(%run_scoped3A : memref<!tpu.dma_semaphore, #tpu.memory_space<semaphore_mem>>)
      %dma_wait3A_86 = tpu.memref_slice %arg7[%add3A_65] : memref<1000000xi32, #tpu.memory_space<hbm>> -> memref<15680xi32, #tpu.memory_space<hbm>>
      %dma_wait3A_87 = tpu.memref_slice %arg7[%add3A_65] : memref<1000000xi32, #tpu.memory_space<hbm>> -> memref<15680xi32, #tpu.memory_space<hbm>>
      tpu.wait_dma2 semaphore(%run_scoped3A : memref<!tpu.dma_semaphore, #tpu.memory_space<semaphore_mem>>) src(%arg15 : memref<15680xi32, #tpu.memory_space<vmem>>) dst(%dma_wait3A_87 : memref<15680xi32, #tpu.memory_space<hbm>>)
      tpu.yield
    }) : () -> ()
    %dma_wait3A_66 = arith.constant 15680 : i32
    %dma_wait3A_67 = tpu.memref_slice %arg11[%dma_wait3A_66] : memref<31360xi32, #tpu.memory_space<vmem>> -> memref<15680xi32, #tpu.memory_space<vmem>>
    %dma_wait3A_68 = arith.constant 0 : i32
    %dma_wait3A_69 = tpu.memref_slice %arg3[%dma_wait3A_68] : memref<5000000xi32, #tpu.memory_space<hbm>> -> memref<5000000xi32, #tpu.memory_space<hbm>>
    tpu.wait_indirect_dma semaphore(%arg18 : memref<!tpu.dma_semaphore, #tpu.memory_space<semaphore_mem>>) src(%dma_wait3A_69 : memref<5000000xi32, #tpu.memory_space<hbm>>) dst(%arg12 : memref<15680xi32, #tpu.memory_space<vmem>>)
    %add3A_70 = arith.constant 15680 : i32
    %add3A_71 = arith.addi %min3A_3, %add3A_70 : i32
    "tpu.region"() ({
      %run_scoped3A = tpu.sem_alloc : memref<!tpu.dma_semaphore, #tpu.memory_space<semaphore_mem>>
      %dma_start3A_84 = tpu.memref_slice %arg8[%add3A_71] : memref<1000000xi32, #tpu.memory_space<hbm>> -> memref<15680xi32, #tpu.memory_space<hbm>>
      %dma_start3A_85 = tpu.memref_slice %arg8[%add3A_71] : memref<1000000xi32, #tpu.memory_space<hbm>> -> memref<15680xi32, #tpu.memory_space<hbm>>
      tpu.enqueue_dma source(%arg12 : memref<15680xi32, #tpu.memory_space<vmem>>) target(%dma_start3A_85 : memref<15680xi32, #tpu.memory_space<hbm>>) target_semaphore(%run_scoped3A : memref<!tpu.dma_semaphore, #tpu.memory_space<semaphore_mem>>)
      %dma_wait3A_86 = tpu.memref_slice %arg8[%add3A_71] : memref<1000000xi32, #tpu.memory_space<hbm>> -> memref<15680xi32, #tpu.memory_space<hbm>>
      %dma_wait3A_87 = tpu.memref_slice %arg8[%add3A_71] : memref<1000000xi32, #tpu.memory_space<hbm>> -> memref<15680xi32, #tpu.memory_space<hbm>>
      tpu.wait_dma2 semaphore(%run_scoped3A : memref<!tpu.dma_semaphore, #tpu.memory_space<semaphore_mem>>) src(%arg12 : memref<15680xi32, #tpu.memory_space<vmem>>) dst(%dma_wait3A_87 : memref<15680xi32, #tpu.memory_space<hbm>>)
      tpu.yield
    }) : () -> ()
    %dma_wait3A_72 = arith.constant 15680 : i32
    %dma_wait3A_73 = tpu.memref_slice %arg11[%dma_wait3A_72] : memref<31360xi32, #tpu.memory_space<vmem>> -> memref<15680xi32, #tpu.memory_space<vmem>>
    %dma_wait3A_74 = arith.constant 0 : i32
    %dma_wait3A_75 = tpu.memref_slice %arg4[%dma_wait3A_74] : memref<5000000xi32, #tpu.memory_space<hbm>> -> memref<5000000xi32, #tpu.memory_space<hbm>>
    tpu.wait_indirect_dma semaphore(%arg19 : memref<!tpu.dma_semaphore, #tpu.memory_space<semaphore_mem>>) src(%dma_wait3A_75 : memref<5000000xi32, #tpu.memory_space<hbm>>) dst(%arg13 : memref<15680xi32, #tpu.memory_space<vmem>>)
    %add3A_76 = arith.constant 15680 : i32
    %add3A_77 = arith.addi %min3A_3, %add3A_76 : i32
    "tpu.region"() ({
      %run_scoped3A = tpu.sem_alloc : memref<!tpu.dma_semaphore, #tpu.memory_space<semaphore_mem>>
      %dma_start3A_84 = tpu.memref_slice %arg9[%add3A_77] : memref<1000000xi32, #tpu.memory_space<hbm>> -> memref<15680xi32, #tpu.memory_space<hbm>>
      %dma_start3A_85 = tpu.memref_slice %arg9[%add3A_77] : memref<1000000xi32, #tpu.memory_space<hbm>> -> memref<15680xi32, #tpu.memory_space<hbm>>
      tpu.enqueue_dma source(%arg13 : memref<15680xi32, #tpu.memory_space<vmem>>) target(%dma_start3A_85 : memref<15680xi32, #tpu.memory_space<hbm>>) target_semaphore(%run_scoped3A : memref<!tpu.dma_semaphore, #tpu.memory_space<semaphore_mem>>)
      %dma_wait3A_86 = tpu.memref_slice %arg9[%add3A_77] : memref<1000000xi32, #tpu.memory_space<hbm>> -> memref<15680xi32, #tpu.memory_space<hbm>>
      %dma_wait3A_87 = tpu.memref_slice %arg9[%add3A_77] : memref<1000000xi32, #tpu.memory_space<hbm>> -> memref<15680xi32, #tpu.memory_space<hbm>>
      tpu.wait_dma2 semaphore(%run_scoped3A : memref<!tpu.dma_semaphore, #tpu.memory_space<semaphore_mem>>) src(%arg13 : memref<15680xi32, #tpu.memory_space<vmem>>) dst(%dma_wait3A_87 : memref<15680xi32, #tpu.memory_space<hbm>>)
      tpu.yield
    }) : () -> ()
    %dma_wait3A_78 = arith.constant 15680 : i32
    %dma_wait3A_79 = tpu.memref_slice %arg11[%dma_wait3A_78] : memref<31360xi32, #tpu.memory_space<vmem>> -> memref<15680xi32, #tpu.memory_space<vmem>>
    %dma_wait3A_80 = arith.constant 0 : i32
    %dma_wait3A_81 = tpu.memref_slice %arg5[%dma_wait3A_80] : memref<5000000xf32, #tpu.memory_space<hbm>> -> memref<5000000xf32, #tpu.memory_space<hbm>>
    tpu.wait_indirect_dma semaphore(%arg23 : memref<!tpu.dma_semaphore, #tpu.memory_space<semaphore_mem>>) src(%dma_wait3A_81 : memref<5000000xf32, #tpu.memory_space<hbm>>) dst(%arg17 : memref<15680xf32, #tpu.memory_space<vmem>>)
    %add3A_82 = arith.constant 15680 : i32
    %add3A_83 = arith.addi %min3A_3, %add3A_82 : i32
    "tpu.region"() ({
      %run_scoped3A = tpu.sem_alloc : memref<!tpu.dma_semaphore, #tpu.memory_space<semaphore_mem>>
      %dma_start3A_84 = tpu.memref_slice %arg10[%add3A_83] : memref<1000000xf32, #tpu.memory_space<hbm>> -> memref<15680xf32, #tpu.memory_space<hbm>>
      %dma_start3A_85 = tpu.memref_slice %arg10[%add3A_83] : memref<1000000xf32, #tpu.memory_space<hbm>> -> memref<15680xf32, #tpu.memory_space<hbm>>
      tpu.enqueue_dma source(%arg17 : memref<15680xf32, #tpu.memory_space<vmem>>) target(%dma_start3A_85 : memref<15680xf32, #tpu.memory_space<hbm>>) target_semaphore(%run_scoped3A : memref<!tpu.dma_semaphore, #tpu.memory_space<semaphore_mem>>)
      %dma_wait3A_86 = tpu.memref_slice %arg10[%add3A_83] : memref<1000000xf32, #tpu.memory_space<hbm>> -> memref<15680xf32, #tpu.memory_space<hbm>>
      %dma_wait3A_87 = tpu.memref_slice %arg10[%add3A_83] : memref<1000000xf32, #tpu.memory_space<hbm>> -> memref<15680xf32, #tpu.memory_space<hbm>>
      tpu.wait_dma2 semaphore(%run_scoped3A : memref<!tpu.dma_semaphore, #tpu.memory_space<semaphore_mem>>) src(%arg17 : memref<15680xf32, #tpu.memory_space<vmem>>) dst(%dma_wait3A_87 : memref<15680xf32, #tpu.memory_space<hbm>>)
      tpu.yield
    }) : () -> ()
    return
  }
}

</mosaic_0001>

<sc_bundles>
// kernel: kernel.3.cloned.1.call-start
scs
__scs_entry_jumppad:
0x0: {  	(pc) =	sbr.rel $0x88, $3  }
0x1: {  	(tag) =	ssettag $0x0;
	lr =	simm.s32 $0x1  }
0x2: {  	[smem:$0x3F9C] =	sst lr;
	_ =	strace $0xD0000000  }
0x3: {  	_ = 	snop  }
0x4: {  	_ = 	snop  }
0x5: {  	_ = 	snop  }
0x6: {  	_ = 	snop  }
0x7: {  	_ = 	snop  }
__scs_overlays_trampoline_lowered:
0x8: {  	[smem:$0x3FAB] =	sst s0  }
0x9: {  	[smem:$0x3FAC] =	sst s1  }
0xa: {  	[smem:$0x3FAD] =	sst s2  }
0xb: {  	[smem:$0x3FAE] =	sst s3  }
0xc: {  	[smem:$0x3FAF] =	sst s4  }
0xd: {  	[smem:$0x3FB0] =	sst s5  }
0xe: {  	[smem:$0x3FB1] =	sst s6  }
0xf: {  	[smem:$0x3FB2] =	sst s7  }
0x10: {  	[smem:$0x3FB3] =	sst s8  }
0x11: {  	[smem:$0x3FB4] =	sst s9;
	s0 =	simm.s32 @!p0 $0x0  }
0x12: {  	s1 =	sld [smem:$0x3F9A];
	s0 =	simm.s32 @p0 $0x1  }
0x13: {  	[smem:$0x3FB5] =	sst s0;
	s0 =	simm.s32 @!p1 $0x0  }
0x14: {  	s2 =	sld [smem:$0x3F99];
	s0 =	simm.s32 @p1 $0x1  }
0x15: {  	[smem:$0x3FB6] =	sst s0;
	s0 =	simm.s32 @!p2 $0x0  }
0x16: {  	s3 =	sld [smem:$0x3FDB];
	s0 =	simm.s32 @p2 $0x1  }
0x17: {  	s4 =	simm.s32 $0x1BF5;
	[smem:$0x3FB8] =	sst s0  }
0x18: {  	s0 =	sld [smem:$0x3F9B];
	_ =	swait.ge [sflag:s4], $0x0  }
0x19: {  	s7 =	sld [smem:$0x3F9C]  }
0x1a: {  	s8 =	sadd.s32 $0xFFFFE003, lr  }
0x1b: {  	s9 =	sadd.s32 $0xFFFFFEF7, lr;
	s5 =	simm.s32 $0xFFFFFFFF;
	p2 =	slt.u32 s8, $0xFFFFF086  }
0x1c: {  	p1 =	slt.u32 s9, $0xF7A;
	s5 =	simm.s32 @!p2 $0x0  }
0x1d: {  	s5 =	simm.s32 @p1 $0x1;
	p0 =	seq.s32 s7, s2  }
0x1e: {  	s7 =	smul.u32 @!p0 $0xF7A, s2;
	p2 =	seq.s32 @!p0 s5, $0x0  }
0x1f: {  	s9 =	smul.u32 $0xF7A, s1;
	s8 =	simm.s32 @!p0 $0x1BF5;
	p2 =	por !p2, p0  }
0x20: {  	[sflag:s8] =	ssyncset.s32 @!p0 $0xFFFFF086;
	s6 =	sadd.s32 @!p0 s3, s7;
	s7 =	simm.s32 @!p0 $0x108  }
0x21: {  	s3 =	sadd.s32 s3, s9;
	s6 =	sadd.s32 @!p0 $0x88, s6;
	s7 =	simm.s32 @p2 $0x1082  }
0x22: {  	[simem:s7], [sflag:s8] =	dma.local @!p0 [hbm:s6], $0xF7A  }
0x23: {  	s9 =	sor.u32 $0xD0000000, s2;
	s6 =	simm.s32 $0x108;
	_ =	swait.ge @!p0 [sflag:s8], $0x0  }
0x24: {  	s3 =	sadd.s32 $0x88, s3;
	s6 =	simm.s32 @!p1 $0x1082;
	[sflag:s4] =	ssyncset.s32 $0xFFFFF086  }
0x25: {  	[simem:s6], [sflag:s4] =	dma.local [hbm:s3], $0xF7A  }
0x26: {  	[smem:$0x3F9C] =	sst s1;
	(tag) =	ssettag s2;
	_ =	strace s9  }
0x27: {  	s1 =	sld [smem:$0x3FAC]  }
0x28: {  	s2 =	sld [smem:$0x3FAD]  }
0x29: {  	s4 =	sld [smem:$0x3FAF]  }
0x2a: {  	p0 =	seq.s32 s5, $0x0;
	s5 =	sld [smem:$0x3FB0]  }
0x2b: {  	s6 =	sld [smem:$0x3FB1]  }
0x2c: {  	s7 =	sld [smem:$0x3FB2]  }
0x2d: {  	s3 =	simm.s32 $0x108;
	s8 =	sld [smem:$0x3FB3]  }
0x2e: {  	s3 =	simm.s32 @!p0 $0x1082;
	s9 =	sld [smem:$0x3FB4]  }
0x2f: {  	lr =	sadd.s32 s0, s3;
	s0 =	sld [smem:$0x3FAB]  }
0x30: {  	s3 =	sld [smem:$0x3FAE]  }
0x31: {  	[smem:$0x3FB7] =	sst s10  }
0x32: {  	s10 =	sld [smem:$0x3FB5];
	_ =	sdelay $0x3  }
0x33: {  	p0 =	seq.s32 s10, $0x1;
	s10 =	sld [smem:$0x3FB7];
	_ =	sdelay $0x3  }
0x34: {  	[smem:$0x3FB7] =	sst s10  }
0x35: {  	s10 =	sld [smem:$0x3FB6];
	_ =	sdelay $0x3  }
0x36: {  	p1 =	seq.s32 s10, $0x1;
	s10 =	sld [smem:$0x3FB7];
	_ =	sdelay $0x3  }
0x37: {  	[smem:$0x3FB7] =	sst s10  }
0x38: {  	s10 =	sld [smem:$0x3FB8]  }
0x39: {  	_ = 	snop;
	(pc) =	sbr.ind lr, $3  }
0x3a: {  	_ = 	snop  }
0x3b: {  	_ = 	snop  }
0x3c: {  	p2 =	seq.s32 s10, $0x1;
	s10 =	sld [smem:$0x3FB7]  }
0x3d: {  	_ =	shalt  }
0x3e: {  	_ =	shalt  }
0x3f: {  	_ =	shalt  }
0x40: {  	_ =	shalt  }
0x41: {  	_ =	shalt  }
0x42: {  	_ =	shalt  }
0x43: {  	_ =	shalt  }
0x44: {  	_ =	shalt  }
0x45: {  	_ =	shalt  }
0x46: {  	_ =	shalt  }
0x47: {  	_ =	shalt  }
0x48: {  	_ =	shalt  }
0x49: {  	_ =	shalt  }
0x4a: {  	_ =	shalt  }
0x4b: {  	_ =	shalt  }
0x4c: {  	_ =	shalt  }
0x4d: {  	_ =	shalt  }
0x4e: {  	_ =	shalt  }
0x4f: {  	_ =	shalt  }
0x50: {  	_ =	shalt  }
0x51: {  	_ =	shalt  }
0x52: {  	_ =	shalt  }
0x53: {  	_ =	shalt  }
0x54: {  	_ =	shalt  }
0x55: {  	_ =	shalt  }
0x56: {  	_ =	shalt  }
0x57: {  	_ =	shalt  }
0x58: {  	_ =	shalt  }
0x59: {  	_ =	shalt  }
0x5a: {  	_ =	shalt  }
0x5b: {  	_ =	shalt  }
0x5c: {  	_ =	shalt  }
0x5d: {  	_ =	shalt  }
0x5e: {  	_ =	shalt  }
0x5f: {  	_ =	shalt  }
0x60: {  	_ =	shalt  }
0x61: {  	_ =	shalt  }
0x62: {  	_ =	shalt  }
0x63: {  	_ =	shalt  }
0x64: {  	_ =	shalt  }
0x65: {  	_ =	shalt  }
0x66: {  	_ =	shalt  }
0x67: {  	_ =	shalt  }
0x68: {  	_ =	shalt  }
0x69: {  	_ =	shalt  }
0x6a: {  	_ =	shalt  }
0x6b: {  	_ =	shalt  }
0x6c: {  	_ =	shalt  }
0x6d: {  	_ =	shalt  }
0x6e: {  	_ =	shalt  }
0x6f: {  	_ =	shalt  }
0x70: {  	_ =	shalt  }
0x71: {  	_ =	shalt  }
0x72: {  	_ =	shalt  }
0x73: {  	_ =	shalt  }
0x74: {  	_ =	shalt  }
0x75: {  	_ =	shalt  }
0x76: {  	_ =	shalt  }
0x77: {  	_ =	shalt  }
0x78: {  	_ =	shalt  }
0x79: {  	_ =	shalt  }
0x7a: {  	_ =	shalt  }
0x7b: {  	_ =	shalt  }
0x7c: {  	_ =	shalt  }
0x7d: {  	_ =	shalt  }
0x7e: {  	_ =	shalt  }
0x7f: {  	_ =	shalt  }
0x80: {  	_ =	shalt  }
0x81: {  	_ =	shalt  }
0x82: {  	_ =	shalt  }
0x83: {  	_ =	shalt  }
0x84: {  	_ =	shalt  }
0x85: {  	_ =	shalt  }
0x86: {  	_ =	shalt  }
0x87: {  	_ =	shalt  }
.Lfunc_end0:
.L_simem_size_0:
called_computation_lowered:
.L_overlay_start_0:
0x88: {  	s2 =	sld [smem:$0x3FD9]  }
0x89: {  	s3 =	sld [smem:$0x3FFE];
	_ =	sdelay $0x1  }
0x8a: {  	s1 =	srdreg.scid  }
0x8b: {  	s0 =	sand.u32 $0x1, s1  }
0x8c: {  	s15 =	sshll.u32 s0, $0xA;
	s2 =	sadd.s32 s3, s2  }
0x8d: {  	s2 =	sadd.s32 s2, s15  }
0x8e: {  	[smem:$0x3FC3] =	sst s2  }
0x8f: {  	_ = 	snop  }
0x90: {  	s2 =	sld [smem:$0x3FC9]  }
0x91: {  	s16 =	sld [smem:$0x3FC8]  }
0x92: {  	s4 =	sld [smem:$0x3FD0]  }
0x93: {  	s5 =	sld [smem:$0x3FC7]  }
0x94: {  	s6 =	sld [smem:$0x3FC6]  }
0x95: {  	s8 =	simm.s32 $0xA;
	s9 =	simm.s32 $0x10;
	s7 =	sld [smem:$0x3FC5]  }
0x96: {  	[smem:s9], [sflag:s8] =	dma.local [hbm:s4], $0x1  }
0x97: {  	_ =	swait.eq [sflag:s8], $0x1  }
0x98: {  	s17 =	sld [smem:$0x10]  }
0x99: {  	s18 =	sld [smem:$0x11];
	[sflag:s8] =	ssyncset.done $0x0  }
0x9a: {  	s10 =	sld [smem:$0x12];
	[sflag:s8] =	ssyncadd.s32 $0xFFFFFFFF  }
0x9b: {  	s19 =	sld [smem:$0x13];
	(tm) =	ssettm $0x1  }
0x9c: {  	s11 =	sld [smem:$0x3FFB];
	_ =	sdelay $0x3  }
0x9d: {  	_ =	strace s11  }
0x9e: {  	s11 =	sld [smem:$0x3FFC];
	_ =	sdelay $0x3  }
0x9f: {  	_ =	strace s11  }
0xa0: {  	s11 =	sld [smem:$0x3FFD];
	_ =	sdelay $0x3  }
0xa1: {  	_ =	strace s11  }
0xa2: {  	_ =	strace $0x8FFFFFFF  }
0xa3: {  	s20 =	sld [smem:$0x3FDB];
	_ =	sdelay $0x1  }
0xa4: {  	s12 =	simm.s32 $_scs_section_size  }
0xa5: {  	s13 =	simm.s32 $_size__tile_overlayer_lowered;
	s14 =	simm.s32 $_tile_overlayer_lowered  }
0xa6: {  	s23 =	simm.s32 $0x1BFF;
	s22 =	sshll.u32 s14, $0x1;
	s11 =	sadd.s32 s12, s20  }
0xa7: {  	s21 =	sshll.u32 s13, $0x1;
	s15 =	simm.s32 $0x0;
	s13 =	sadd.s32 s22, s11  }
0xa8: {  	[timem:s15], [sflag:s23] =	dma.local [hbm:s13], s21  }
0xa9: {  	_ =	swait.ge [sflag:s23], s21  }
0xaa: {  	s12 =	ssub.s32 $0x0, s21;
	[sflag:s23] =	ssyncset.done $0x0  }
0xab: {  	[sflag:s23] =	ssyncadd.s32 s12;
	_ =	sdelay $0x1  }
0xac: {  	s24 =	simm.s32 $0x1B8B  }
0xad: {  	_ =	swait.ge [sflag:s24], $0x1  }
0xae: {  	[sflag:s24] =	ssyncset.done $0x0  }
0xaf: {  	s25 =	simm.s32 $0x1B8E;
	[sflag:s24] =	ssyncadd.s32 $0xFFFFFFFF  }
0xb0: {  	s26 =	simm.s32 $execute0_lowered;
	[smem:$0x3FD2] =	sst s25  }
0xb1: {  	s12 =	sshll.u32 s26, $0x1;
	_ =	strace $0x80000046;
	[dreg:$0x1] =	wrdreg $0xFFFFFFFF  }
0xb2: {  	s28 =	simm.s32 $_size_execute0_lowered;
	s11 =	sadd.s32 s11, s12;
	[dreg:$0x0] =	wrdreg $0x0  }
0xb3: {  	s12 =	sshll.u32 s28, $0x1;
	[dreg:$0x2] =	wrdreg s11  }
0xb4: {  	[dreg:$0x3] =	wrdreg s12  }
0xb5: {  	[dreg:$0x4] =	wrdreg $0xC0  }
0xb6: {  	_ =	task [dreg:s15], $0x5FFFF  }
0xb7: {  	[dreg:$0x1] =	wrdreg $0xFFFFFFFF  }
0xb8: {  	[dreg:$0x0] =	wrdreg $0x60  }
0xb9: {  	[dreg:$0x2] =	wrdreg s2  }
0xba: {  	[dreg:$0x3] =	wrdreg s16  }
0xbb: {  	[dreg:$0x4] =	wrdreg s5  }
0xbc: {  	[dreg:$0x5] =	wrdreg s6  }
0xbd: {  	[dreg:$0x6] =	wrdreg s7  }
0xbe: {  	[dreg:$0x7] =	wrdreg s17  }
0xbf: {  	[dreg:$0x8] =	wrdreg s18  }
0xc0: {  	[dreg:$0x9] =	wrdreg s10  }
0xc1: {  	[dreg:$0xa] =	wrdreg s19  }
0xc2: {  	[dreg:$0xb] =	wrdreg $0x9  }
0xc3: {  	_ =	task.clear_ibuf [dreg:s15], $0xCFFFF;
	_ =	strace $0x90000046  }
0xc4: {  	s29 =	simm.s32 $0x9;
	_ =	strace $0x80000048  }
0xc5: {  	_ =	swait.ge [sflag:s29], $0x1  }
0xc6: {  	[sflag:s29] =	ssyncadd.s32 $0xFFFFFFFF  }
0xc7: {  	_ =	strace $0x90000048  }
0xc8: {  	_ =	sfence  }
0xc9: {  	s30 =	sld [smem:$0x0];
	_ =	sdelay $0x2  }
0xca: {  	s31 =	sshll.u32 s1, $0xD;
	s1 =	sshrl.u32 s1, $0x2  }
0xcb: {  	s3 =	sand.u32 $0x4000, s31;
	s1 =	sadd.s32 s1, s30  }
0xcc: {  	s0 =	sor.u32 s3, s0;
	s1 =	sshll.u32 s1, $0x11  }
0xcd: {  	s0 =	sor.u32 s1, s0  }
0xce: {  	s0 =	sadd.s32 $0x8F2B, s0  }
0xcf: {  	[sflag:s0] =	ssyncadd.remote.s32 $0x1  }
0xd0: {  	_ =	sfence.sel $0xFFFF  }
0xd1: {  	[dreg:$0x0] =	wrdreg $0xFFFFFFFF;
	(pc) =	sbr.abs _section_cstart, $3  }
0xd2: {  	[dreg:$0x1] =	wrdreg $0xFFFFFFFF  }
0xd3: {  	_ =	task.clear_ibuf [dreg:s15], $0x2FFFF;
	_ =	strace $0x9FFFFFFF  }
0xd4: {  	(tm) =	ssettm $0x7FFFFFFF  }
0xd5: {  	_ =	shalt  }
tec
execute0_lowered:
.L_overlay_start_1:
0x0: {  	(tag) =	ssettag $0x1  }
0x1: {  	s1 =	rddreg [dreg:$0x0]  }
0x2: {  	s2 =	rddreg [dreg:$0x1]  }
0x3: {  	s3 =	rddreg [dreg:$0x2]  }
0x4: {  	s5 =	srdreg.scid;
	s0 =	stileid.u32  }
0x5: {  	s4 =	rddreg [dreg:$0x3];
	s29 =	sand.u32 $0x1, s5;
	s24 =	sshll.u32 s0, $0x1  }
0x6: {  	s13 =	rddreg [dreg:$0x4];
	s5 =	sor.u32 s29, s24  }
0x7: {  	s25 =	rddreg [dreg:$0x5];
	s7 =	smul.u32 $0x7A80, s5  }
0x8: {  	s26 =	rddreg [dreg:$0x6]  }
0x9: {  	s28 =	rddreg [dreg:$0x7];
	s7 =	smin.u32 s7, $0xEC7C0  }
0xa: {  	s30 =	rddreg [dreg:$0x8];
	s6 =	simm.s32 $0x0;
	s23 =	sshrl.u32 s7, $0x3  }
0xb: {  	[smem:$0x7FF] =	sst s6;
	s7 =	sadd.s32 s13, s23  }
0xc: {  	_ =	strace $0x80000047;
	[dreg:$0xa] =	wrdreg s7  }
0xd: {  	s7 =	simm.s32 $0x7;
	s8 =	rddreg [dreg:$0xa]  }
0xe: {  	[tilespmem:s6], [sflag:$0x7] =	stream.linear.gather [hbm4b:s8+s6], $0x3D40, $0x38;
	[tilespmem:$0x1EB80] =	vst v63  }
0xf: {  	_ =	swait.ge [sflag:s7], $0x3D40  }
0x10: {  	[sflag:s7] =	ssyncset.done $0x0  }
0x11: {  	s9 =	simm.s32 $0x7A80;
	s8 =	simm.s32 $0x3D40;
	[sflag:s7] =	ssyncadd.s32 $0xFFFFC2C0  }
0x12: {  	[tilespmem:s9], [sflag:$0x1] =	stream.indirect.gather [hbm4b:s1+s8], $0x1, s6, s8, $0xb8;
	[tilespmem:$0x1EB80] =	vst v63  }
0x13: {  	s10 =	simm.s32 $0xB800  }
0x14: {  	[tilespmem:s10], [sflag:$0x2] =	stream.indirect.gather [hbm4b:s2+s8], $0x1, s6, s8, $0xb8;
	[tilespmem:$0x1EB80] =	vst v63  }
0x15: {  	s11 =	simm.s32 $0xF580  }
0x16: {  	[tilespmem:s11], [sflag:$0x3] =	stream.indirect.gather [hbm4b:s3+s8], $0x1, s6, s8, $0xb8;
	[tilespmem:$0x1EB80] =	vst v63  }
0x17: {  	s12 =	simm.s32 $0x17080;
	s31 =	sadd.s32 $0x7A8, s23  }
0x18: {  	[tilespmem:s12], [sflag:$0x5] =	stream.indirect.gather [hbm4b:s4+s8], $0x1, s6, s8, $0xb8;
	[tilespmem:$0x1EB80] =	vst v63  }
0x19: {  	s13 =	sadd.s32 s13, s31  }
0x1a: {  	[tilespmem:s8], [sflag:$0x7] =	stream.linear.gather [hbm4b:s13+s6], $0x3D40, $0x38;
	[tilespmem:$0x1EB80] =	vst v63  }
0x1b: {  	_ =	swait.ge [sflag:s7], $0x3D40  }
0x1c: {  	[sflag:s7] =	ssyncset.done $0x0  }
0x1d: {  	s14 =	simm.s32 $0x13300;
	[sflag:s7] =	ssyncadd.s32 $0xFFFFC2C0  }
0x1e: {  	[tilespmem:s14], [sflag:$0x4] =	stream.indirect.gather [hbm4b:s1+s8], $0x1, s8, s8, $0xb8;
	[tilespmem:$0x1EB80] =	vst v63  }
0x1f: {  	s15 =	simm.s32 $0x1AE00;
	s16 =	simm.s32 $0x1  }
0x20: {  	[tilespmem:s15], [sflag:$0x6] =	stream.indirect.gather [hbm4b:s4+s8], $0x1, s8, s8, $0xb8;
	[tilespmem:$0x1EB80] =	vst v63  }
0x21: {  	_ =	swait.ge [sflag:s16], $0x3D40  }
0x22: {  	[sflag:s16] =	ssyncset.done $0x0  }
0x23: {  	s17 =	sadd.s32 s25, s23;
	[sflag:s16] =	ssyncadd.s32 $0xFFFFC2C0  }
0x24: {  	[hbm4b:s17+s6] =	stream.linear.scatter [tilespmem:s9], [sflag:$0x7], $0x3D40, $0x38;
	[tilespmem:$0x1EB80] =	vst v63  }
0x25: {  	_ =	swait.ge [sflag:s7], $0x3D40  }
0x26: {  	[sflag:s7] =	ssyncset.done $0x0  }
0x27: {  	s18 =	simm.s32 $0x2;
	[sflag:s7] =	ssyncadd.s32 $0xFFFFC2C0  }
0x28: {  	[tilespmem:s9], [sflag:$0x1] =	stream.indirect.gather [hbm4b:s2+s8], $0x1, s8, s8, $0xb8;
	[tilespmem:$0x1EB80] =	vst v63  }
0x29: {  	_ =	swait.ge [sflag:s18], $0x3D40  }
0x2a: {  	[sflag:s18] =	ssyncset.done $0x0  }
0x2b: {  	s19 =	sadd.s32 s26, s23;
	[sflag:s18] =	ssyncadd.s32 $0xFFFFC2C0  }
0x2c: {  	[hbm4b:s19+s6] =	stream.linear.scatter [tilespmem:s10], [sflag:$0x7], $0x3D40, $0x38;
	[tilespmem:$0x1EB80] =	vst v63  }
0x2d: {  	_ =	swait.ge [sflag:s7], $0x3D40  }
0x2e: {  	[sflag:s7] =	ssyncset.done $0x0  }
0x2f: {  	s20 =	simm.s32 $0x3;
	[sflag:s7] =	ssyncadd.s32 $0xFFFFC2C0  }
0x30: {  	[tilespmem:s10], [sflag:$0x2] =	stream.indirect.gather [hbm4b:s3+s8], $0x1, s8, s8, $0xb8;
	[tilespmem:$0x1EB80] =	vst v63  }
0x31: {  	_ =	swait.ge [sflag:s20], $0x3D40  }
0x32: {  	[sflag:s20] =	ssyncset.done $0x0  }
0x33: {  	s21 =	sadd.s32 s28, s23;
	[sflag:s20] =	ssyncadd.s32 $0xFFFFC2C0  }
0x34: {  	[hbm4b:s21+s6] =	stream.linear.scatter [tilespmem:s11], [sflag:$0x7], $0x3D40, $0x38;
	[tilespmem:$0x1EB80] =	vst v63  }
0x35: {  	_ =	swait.ge [sflag:s7], $0x3D40  }
0x36: {  	[sflag:s7] =	ssyncset.done $0x0  }
0x37: {  	s22 =	simm.s32 $0x5;
	[sflag:s7] =	ssyncadd.s32 $0xFFFFC2C0  }
0x38: {  	_ =	swait.ge [sflag:s22], $0x3D40  }
0x39: {  	[sflag:s22] =	ssyncset.done $0x0  }
0x3a: {  	s23 =	sadd.s32 s30, s23;
	[sflag:s22] =	ssyncadd.s32 $0xFFFFC2C0  }
0x3b: {  	[hbm4b:s23+s6] =	stream.linear.scatter [tilespmem:s12], [sflag:$0x7], $0x3D40, $0x38;
	[tilespmem:$0x1EB80] =	vst v63  }
0x3c: {  	_ =	swait.ge [sflag:s7], $0x3D40  }
0x3d: {  	[sflag:s7] =	ssyncset.done $0x0  }
0x3e: {  	s24 =	simm.s32 $0x4;
	[sflag:s7] =	ssyncadd.s32 $0xFFFFC2C0  }
0x3f: {  	_ =	swait.ge [sflag:s24], $0x3D40  }
0x40: {  	[sflag:s24] =	ssyncset.done $0x0  }
0x41: {  	s25 =	sadd.s32 s25, s31;
	[sflag:s24] =	ssyncadd.s32 $0xFFFFC2C0  }
0x42: {  	[hbm4b:s25+s6] =	stream.linear.scatter [tilespmem:s14], [sflag:$0x7], $0x3D40, $0x38;
	[tilespmem:$0x1EB80] =	vst v63  }
0x43: {  	_ =	swait.ge [sflag:s7], $0x3D40  }
0x44: {  	[sflag:s7] =	ssyncset.done $0x0  }
0x45: {  	[sflag:s7] =	ssyncadd.s32 $0xFFFFC2C0  }
0x46: {  	_ =	swait.ge [sflag:s16], $0x3D40  }
0x47: {  	[sflag:s16] =	ssyncset.done $0x0  }
0x48: {  	s26 =	sadd.s32 s26, s31;
	[sflag:s16] =	ssyncadd.s32 $0xFFFFC2C0  }
0x49: {  	[hbm4b:s26+s6] =	stream.linear.scatter [tilespmem:s9], [sflag:$0x7], $0x3D40, $0x38;
	[tilespmem:$0x1EB80] =	vst v63  }
0x4a: {  	_ =	swait.ge [sflag:s7], $0x3D40  }
0x4b: {  	[sflag:s7] =	ssyncset.done $0x0  }
0x4c: {  	[sflag:s7] =	ssyncadd.s32 $0xFFFFC2C0  }
0x4d: {  	_ =	swait.ge [sflag:s18], $0x3D40  }
0x4e: {  	s5 =	ssub.s32 $0x2, s29;
	[sflag:s18] =	ssyncset.done $0x0  }
0x4f: {  	s0 =	sshrl.u32 s5, $0x1;
	s28 =	sadd.s32 s28, s31;
	[sflag:s18] =	ssyncadd.s32 $0xFFFFC2C0  }
0x50: {  	[hbm4b:s28+s6] =	stream.linear.scatter [tilespmem:s10], [sflag:$0x7], $0x3D40, $0x38;
	[tilespmem:$0x1EB80] =	vst v63  }
0x51: {  	s0 =	ssub.s32 s5, s0;
	_ =	swait.ge [sflag:s7], $0x3D40  }
0x52: {  	s0 =	smax.u32 s0, $0x1;
	[sflag:s7] =	ssyncset.done $0x0  }
0x53: {  	s29 =	simm.s32 $0x6;
	p0 =	sne.s32 s0, $0x1;
	[sflag:s7] =	ssyncadd.s32 $0xFFFFC2C0  }
.Ltmp0:
0x54: {  	_ =	swait.ge [sflag:s29], $0x3D40;
	(pc) =	sbr.rel @!p0 .LBB2_2-.Ltmp0, $4  }
0x55: {  	[sflag:s29] =	ssyncset.done $0x0  }
0x56: {  	s30 =	sadd.s32 s30, s31;
	[sflag:s29] =	ssyncadd.s32 $0xFFFFC2C0  }
0x57: {  	[hbm4b:s30+s6] =	stream.linear.scatter [tilespmem:s15], [sflag:$0x7], $0x3D40, $0x38;
	[tilespmem:$0x1EB80] =	vst v63  }
0x58: {  	s31 =	sadd.s32 $0xFFFFFFFF, s0;
	_ =	swait.ge [sflag:s7], $0x3D40  }
.LBB2_1:
0x59: {  	[sflag:s7] =	ssyncset.done $0x0  }
0x5a: {  	s0 =	rddreg [dreg:$0xa];
	[sflag:s7] =	ssyncadd.s32 $0xFFFFC2C0  }
0x5b: {  	[tilespmem:s6], [sflag:$0x7] =	stream.linear.gather [hbm4b:s0+s6], $0x3D40, $0x38;
	[tilespmem:$0x1EB80] =	vst v63  }
0x5c: {  	_ =	swait.ge [sflag:s7], $0x3D40  }
0x5d: {  	[sflag:s7] =	ssyncset.done $0x0  }
0x5e: {  	[sflag:s7] =	ssyncadd.s32 $0xFFFFC2C0  }
0x5f: {  	[tilespmem:s9], [sflag:$0x1] =	stream.indirect.gather [hbm4b:s1+s8], $0x1, s6, s8, $0xb8;
	[tilespmem:$0x1EB80] =	vst v63  }
0x60: {  	_ = 	snop  }
0x61: {  	[tilespmem:s10], [sflag:$0x2] =	stream.indirect.gather [hbm4b:s2+s8], $0x1, s6, s8, $0xb8;
	[tilespmem:$0x1EB80] =	vst v63  }
0x62: {  	_ = 	snop  }
0x63: {  	[tilespmem:s11], [sflag:$0x3] =	stream.indirect.gather [hbm4b:s3+s8], $0x1, s6, s8, $0xb8;
	[tilespmem:$0x1EB80] =	vst v63  }
0x64: {  	_ = 	snop  }
0x65: {  	[tilespmem:s12], [sflag:$0x5] =	stream.indirect.gather [hbm4b:s4+s8], $0x1, s6, s8, $0xb8;
	[tilespmem:$0x1EB80] =	vst v63  }
0x66: {  	_ = 	snop  }
0x67: {  	[tilespmem:s8], [sflag:$0x7] =	stream.linear.gather [hbm4b:s13+s6], $0x3D40, $0x38;
	[tilespmem:$0x1EB80] =	vst v63  }
0x68: {  	_ =	swait.ge [sflag:s7], $0x3D40  }
0x69: {  	[sflag:s7] =	ssyncset.done $0x0  }
0x6a: {  	[sflag:s7] =	ssyncadd.s32 $0xFFFFC2C0  }
0x6b: {  	[tilespmem:s14], [sflag:$0x4] =	stream.indirect.gather [hbm4b:s1+s8], $0x1, s8, s8, $0xb8;
	[tilespmem:$0x1EB80] =	vst v63  }
0x6c: {  	_ = 	snop  }
0x6d: {  	[tilespmem:s15], [sflag:$0x6] =	stream.indirect.gather [hbm4b:s4+s8], $0x1, s8, s8, $0xb8;
	[tilespmem:$0x1EB80] =	vst v63  }
0x6e: {  	_ =	swait.ge [sflag:s16], $0x3D40  }
0x6f: {  	[sflag:s16] =	ssyncset.done $0x0  }
0x70: {  	[sflag:s16] =	ssyncadd.s32 $0xFFFFC2C0  }
0x71: {  	[hbm4b:s17+s6] =	stream.linear.scatter [tilespmem:s9], [sflag:$0x7], $0x3D40, $0x38;
	[tilespmem:$0x1EB80] =	vst v63  }
0x72: {  	_ =	swait.ge [sflag:s7], $0x3D40  }
0x73: {  	[sflag:s7] =	ssyncset.done $0x0  }
0x74: {  	[sflag:s7] =	ssyncadd.s32 $0xFFFFC2C0  }
0x75: {  	[tilespmem:s9], [sflag:$0x1] =	stream.indirect.gather [hbm4b:s2+s8], $0x1, s8, s8, $0xb8;
	[tilespmem:$0x1EB80] =	vst v63  }
0x76: {  	_ =	swait.ge [sflag:s18], $0x3D40  }
0x77: {  	[sflag:s18] =	ssyncset.done $0x0  }
0x78: {  	[sflag:s18] =	ssyncadd.s32 $0xFFFFC2C0  }
0x79: {  	[hbm4b:s19+s6] =	stream.linear.scatter [tilespmem:s10], [sflag:$0x7], $0x3D40, $0x38;
	[tilespmem:$0x1EB80] =	vst v63  }
0x7a: {  	_ =	swait.ge [sflag:s7], $0x3D40  }
0x7b: {  	[sflag:s7] =	ssyncset.done $0x0  }
0x7c: {  	[sflag:s7] =	ssyncadd.s32 $0xFFFFC2C0  }
0x7d: {  	[tilespmem:s10], [sflag:$0x2] =	stream.indirect.gather [hbm4b:s3+s8], $0x1, s8, s8, $0xb8;
	[tilespmem:$0x1EB80] =	vst v63  }
0x7e: {  	_ =	swait.ge [sflag:s20], $0x3D40  }
0x7f: {  	[sflag:s20] =	ssyncset.done $0x0  }
0x80: {  	[sflag:s20] =	ssyncadd.s32 $0xFFFFC2C0  }
0x81: {  	[hbm4b:s21+s6] =	stream.linear.scatter [tilespmem:s11], [sflag:$0x7], $0x3D40, $0x38;
	[tilespmem:$0x1EB80] =	vst v63  }
0x82: {  	_ =	swait.ge [sflag:s7], $0x3D40  }
0x83: {  	[sflag:s7] =	ssyncset.done $0x0  }
0x84: {  	[sflag:s7] =	ssyncadd.s32 $0xFFFFC2C0  }
0x85: {  	_ =	swait.ge [sflag:s22], $0x3D40  }
0x86: {  	[sflag:s22] =	ssyncset.done $0x0  }
0x87: {  	[sflag:s22] =	ssyncadd.s32 $0xFFFFC2C0  }
0x88: {  	[hbm4b:s23+s6] =	stream.linear.scatter [tilespmem:s12], [sflag:$0x7], $0x3D40, $0x38;
	[tilespmem:$0x1EB80] =	vst v63  }
0x89: {  	_ =	swait.ge [sflag:s7], $0x3D40  }
0x8a: {  	[sflag:s7] =	ssyncset.done $0x0  }
0x8b: {  	[sflag:s7] =	ssyncadd.s32 $0xFFFFC2C0  }
0x8c: {  	_ =	swait.ge [sflag:s24], $0x3D40  }
0x8d: {  	[sflag:s24] =	ssyncset.done $0x0  }
0x8e: {  	[sflag:s24] =	ssyncadd.s32 $0xFFFFC2C0  }
0x8f: {  	[hbm4b:s25+s6] =	stream.linear.scatter [tilespmem:s14], [sflag:$0x7], $0x3D40, $0x38;
	[tilespmem:$0x1EB80] =	vst v63  }
0x90: {  	_ =	swait.ge [sflag:s7], $0x3D40  }
0x91: {  	[sflag:s7] =	ssyncset.done $0x0  }
0x92: {  	[sflag:s7] =	ssyncadd.s32 $0xFFFFC2C0  }
0x93: {  	_ =	swait.ge [sflag:s16], $0x3D40  }
0x94: {  	[sflag:s16] =	ssyncset.done $0x0  }
0x95: {  	[sflag:s16] =	ssyncadd.s32 $0xFFFFC2C0  }
0x96: {  	[hbm4b:s26+s6] =	stream.linear.scatter [tilespmem:s9], [sflag:$0x7], $0x3D40, $0x38;
	[tilespmem:$0x1EB80] =	vst v63  }
0x97: {  	_ =	swait.ge [sflag:s7], $0x3D40  }
0x98: {  	[sflag:s7] =	ssyncset.done $0x0  }
0x99: {  	[sflag:s7] =	ssyncadd.s32 $0xFFFFC2C0  }
0x9a: {  	_ =	swait.ge [sflag:s18], $0x3D40  }
0x9b: {  	[sflag:s18] =	ssyncset.done $0x0  }
0x9c: {  	[sflag:s18] =	ssyncadd.s32 $0xFFFFC2C0  }
0x9d: {  	[hbm4b:s28+s6] =	stream.linear.scatter [tilespmem:s10], [sflag:$0x7], $0x3D40, $0x38;
	[tilespmem:$0x1EB80] =	vst v63  }
0x9e: {  	_ =	swait.ge [sflag:s7], $0x3D40  }
0x9f: {  	[sflag:s7] =	ssyncset.done $0x0  }
0xa0: {  	p0 =	sne.s32 s31, $0x1;
	[sflag:s7] =	ssyncadd.s32 $0xFFFFC2C0  }
.Ltmp1:
0xa1: {  	_ =	swait.ge [sflag:s29], $0x3D40;
	(pc) =	sbr.rel @p0 .LBB2_1-.Ltmp1, $4  }
0xa2: {  	[sflag:s29] =	ssyncset.done $0x0  }
0xa3: {  	[sflag:s29] =	ssyncadd.s32 $0xFFFFC2C0  }
0xa4: {  	[hbm4b:s30+s6] =	stream.linear.scatter [tilespmem:s15], [sflag:$0x7], $0x3D40, $0x38;
	[tilespmem:$0x1EB80] =	vst v63  }
0xa5: {  	s31 =	sadd.s32 $0xFFFFFFFF, s31;
	_ =	swait.ge [sflag:s7], $0x3D40  }
.LBB2_2:
0xa6: {  	[sflag:s7] =	ssyncset.done $0x0  }
0xa7: {  	[sflag:s7] =	ssyncadd.s32 $0xFFFFC2C0  }
0xa8: {  	_ =	sfence.sel $0x180000  }
0xa9: {  	[bflag:$0x0] =	sbarrier.arrive $0xFFFF  }
0xaa: {  	_ =	strace $0x90000047  }
0xab: {  	s0 =	stileid.u32;
	[bflag:$0x2] =	sbarrier.arrive $0xFFFF  }
0xac: {  	p0 =	sne.s32 s0, $0x0;
	s0 =	rddreg [dreg:$0x9]  }
0xad: {  	s0 =	sadd.s32 @!p0 $0x100000, s0  }
0xae: {  	[sflag:s0] =	ssyncadd.tile.s32 @!p0 $0x1;
	_ =	shalt  }
.Lfunc_end2:
_tile_overlayer_lowered:
.L_overlay_start_2:
0xaf: {  	(tag) =	ssettag $0x2  }
0xb0: {  	s0 =	rddreg [dreg:$0x0];
	s2 =	stileid.u32  }
0xb1: {  	s1 =	rddreg [dreg:$0x1];
	p0 =	sne.s32 s2, $0x0  }
0xb2: {  	s3 =	rddreg [dreg:$0x2];
	[bflag:$0x3] =	sbarrier.arrive $0xFFFF;
	s2 =	simm.s32 @!p0 $0x1C07  }
0xb3: {  	[timem:s3], [sflag:s2] =	dma.local @!p0 [hbm:s0], s1  }
0xb4: {  	s0 =	simm.s32 @!p0 $0x7  }
0xb5: {  	_ =	swait.ge @!p0 [sflag:s0], s1  }
0xb6: {  	s1 =	ssub.s32 @!p0 $0x0, s1;
	[sflag:s0] =	ssyncset.done @!p0 $0x0  }
0xb7: {  	[sflag:s0] =	ssyncadd.s32 @!p0 s1  }
0xb8: {  	[bflag:$0x3] =	sbarrier.arrive $0xFFFF  }
0xb9: {  	_ =	shalt  }

</sc_bundles>
